<compile_context>
chip_gen: v7x
topology: tpu7x:2x2x1
jax: 0.10.2.dev20260603
libtpu: 0.0.44.dev20260713+nightly
codegen_flags: <defaults>
</compile_context>

<pallas_src>
import jax
import jax.numpy as jnp
from jax import lax
from jax.experimental import pallas as pl
from jax.experimental.pallas import tpu as pltpu
from jax.experimental.pallas import tpu_sc as plsc

D = 14336
NC, NS = 2, 16
NW = NC * NS
B = 512
BPW = B // NW
CH = 2
NB = 2
NCHUNK = BPW // CH


def _body(idx_hbm, table_hbm, out_hbm, idx_v, buf0, buf1, g0, g1, w0, w1):
    wid = lax.axis_index("s") * NC + lax.axis_index("c")
    base = wid * BPW
    pltpu.sync_copy(idx_hbm.at[wid], idx_v)
    bufs = (buf0, buf1)
    gsems = (g0, g1)
    wsems = (w0, w1)

    def gather(j, b):
        return pltpu.make_async_copy(
            table_hbm.at[idx_v.at[j]], bufs[b], gsems[b])

    def write(j, b):
        return pltpu.make_async_copy(
            bufs[b], out_hbm.at[pl.ds(base + j * CH, CH)], wsems[b])

    for b in range(NB):
        gather(b, b).start()
    def step(t, carry):
        for b in range(NB):
            j = t * NB + b
            gather(j, b).wait()
            write(j, b).start()
            write(j, b).wait()
            gather(j + NB, b).start()
        return carry
    lax.fori_loop(0, NCHUNK // NB - 1, step, 0)
    for b in range(NB):
        j = NCHUNK - NB + b
        gather(j, b).wait()
        write(j, b).start()
    for b in range(NB):
        write(NCHUNK - NB + b, b).wait()


_gather_call = pl.kernel(
    _body,
    out_type=jax.ShapeDtypeStruct((B, D), jnp.float32),
    mesh=plsc.VectorSubcoreMesh(core_axis_name="c", subcore_axis_name="s"),
    scratch_types=(
        [pltpu.VMEM((NCHUNK, CH), jnp.int32)]
        + [pltpu.VMEM((CH, D), jnp.float32)] * NB
        + [pltpu.SemaphoreType.DMA] * (2 * NB)
    ),
)


def kernel(prefix, embedding_table):
    bsz, seq = prefix.shape
    idx = prefix.astype(jnp.int32).reshape(NW, NCHUNK, CH)
    out = _gather_call(idx, embedding_table)
    return out.reshape(bsz, seq, D)

# --- scband reference (transcript-rebuilt; emitter-appended) ---
"""Pipeline reference for scband-prefix-encoder-41747082117651 (READ-ONLY COPY).

The authoritative reference and input builder live on the scoring server;
editing this copy changes nothing except your own understanding.
"""

import jax, jax.numpy as jnp
import numpy as np

PRE_SEQ_LEN = 128
NUM_LAYERS = 28
KV_CHANNELS = 128
MQ_GROUPS = 2
KV_SIZE = NUM_LAYERS * KV_CHANNELS * MQ_GROUPS * 2  # 14336
BATCH = 4


def setup_inputs(seed: int = 0) -> dict:
    key = jax.random.key(seed)
    k1, k2 = jax.random.split(key)
    prefix = jax.random.randint(k1, (BATCH, PRE_SEQ_LEN), 0, PRE_SEQ_LEN, dtype=jnp.int64 if jax.config.jax_enable_x64 else jnp.int32)
    embedding_table = jax.random.normal(k2, (PRE_SEQ_LEN, KV_SIZE), dtype=jnp.float32) * 0.02
    return {"prefix": prefix, "embedding_table": embedding_table}


def reference(prefix, embedding_table):
    # prefix_projection=False branch: past_key_values = self.embedding(prefix)
    past_key_values = jnp.take(embedding_table, prefix, axis=0)
    return past_key_values

if __name__ == "__main__":
    import jax
    _d = setup_inputs()
    print(jax.jit(kernel)(*tuple(_d.values())))

</pallas_src>

<mosaic_0001>
#map = affine_map<(d0, d1) -> (0, 0, 0)>
#map1 = affine_map<(d0, d1) -> (0, 0)>
module attributes {stable_mosaic.version = 14 : i64} {
  func.func @_body(%arg0: i32, %arg1: i32, %arg2: memref<32x8x2xi32, #tpu.memory_space<hbm>>, %arg3: memref<128x14336xf32, #tpu.memory_space<hbm>>, %arg4: memref<512x14336xf32, #tpu.memory_space<hbm>>, %arg5: memref<8x2xi32, #tpu.memory_space<vmem>>, %arg6: memref<2x14336xf32, #tpu.memory_space<vmem>>, %arg7: memref<2x14336xf32, #tpu.memory_space<vmem>>, %arg8: memref<!tpu.dma_semaphore, #tpu.memory_space<semaphore_mem>>, %arg9: memref<!tpu.dma_semaphore, #tpu.memory_space<semaphore_mem>>, %arg10: memref<!tpu.dma_semaphore, #tpu.memory_space<semaphore_mem>>, %arg11: memref<!tpu.dma_semaphore, #tpu.memory_space<semaphore_mem>>) attributes {dimension_semantics = [#tpu.dimension_semantics<core_parallel>, #tpu.dimension_semantics<subcore_parallel>], iteration_bounds = array<i64: 2, 16>, scalar_prefetch = 0 : i64, scratch_operands = 7 : i64, tpu.core_type = #tpu.core_type<sc_vector_subcore>, window_params = [{transform_indices = #map}, {transform_indices = #map1}, {transform_indices = #map1}]} {
    %mul3A = arith.constant 2 : i32
    %mul3A_0 = arith.muli %arg1, %mul3A : i32
    %add3A = arith.addi %mul3A_0, %arg0 : i32
    %mul3A_1 = arith.constant 16 : i32
    %mul3A_2 = arith.muli %add3A, %mul3A_1 : i32
    "tpu.region"() ({
      %run_scoped3A = tpu.sem_alloc : memref<!tpu.dma_semaphore, #tpu.memory_space<semaphore_mem>>
      %dma_start3A_58 = arith.constant 0 : i32
      %dma_start3A_59 = arith.constant 0 : i32
      %dma_start3A_60 = tpu.memref_slice %arg2[%add3A, %dma_start3A_58, %dma_start3A_59] : memref<32x8x2xi32, #tpu.memory_space<hbm>> -> memref<1x8x2xi32, #tpu.memory_space<hbm>>
      %dma_start3A_61 = tpu.memref_squeeze %dma_start3A_60 : memref<1x8x2xi32, #tpu.memory_space<hbm>> -> memref<8x2xi32, #tpu.memory_space<hbm>>
      %dma_start3A_62 = arith.constant 0 : i32
      %dma_start3A_63 = arith.constant 0 : i32
      %dma_start3A_64 = tpu.memref_slice %arg2[%add3A, %dma_start3A_62, %dma_start3A_63] : memref<32x8x2xi32, #tpu.memory_space<hbm>> -> memref<1x8x2xi32, #tpu.memory_space<hbm>>
      %dma_start3A_65 = tpu.memref_squeeze %dma_start3A_64 : memref<1x8x2xi32, #tpu.memory_space<hbm>> -> memref<8x2xi32, #tpu.memory_space<hbm>>
      tpu.enqueue_dma source(%dma_start3A_65 : memref<8x2xi32, #tpu.memory_space<hbm>>) target(%arg5 : memref<8x2xi32, #tpu.memory_space<vmem>>) target_semaphore(%run_scoped3A : memref<!tpu.dma_semaphore, #tpu.memory_space<semaphore_mem>>)
      %dma_wait3A_66 = arith.constant 0 : i32
      %dma_wait3A_67 = arith.constant 0 : i32
      %dma_wait3A_68 = tpu.memref_slice %arg2[%add3A, %dma_wait3A_66, %dma_wait3A_67] : memref<32x8x2xi32, #tpu.memory_space<hbm>> -> memref<1x8x2xi32, #tpu.memory_space<hbm>>
      %dma_wait3A_69 = tpu.memref_squeeze %dma_wait3A_68 : memref<1x8x2xi32, #tpu.memory_space<hbm>> -> memref<8x2xi32, #tpu.memory_space<hbm>>
      %dma_wait3A_70 = arith.constant 0 : i32
      %dma_wait3A_71 = arith.constant 0 : i32
      %dma_wait3A_72 = tpu.memref_slice %arg2[%add3A, %dma_wait3A_70, %dma_wait3A_71] : memref<32x8x2xi32, #tpu.memory_space<hbm>> -> memref<1x8x2xi32, #tpu.memory_space<hbm>>
      %dma_wait3A_73 = tpu.memref_squeeze %dma_wait3A_72 : memref<1x8x2xi32, #tpu.memory_space<hbm>> -> memref<8x2xi32, #tpu.memory_space<hbm>>
      tpu.wait_dma2 semaphore(%run_scoped3A : memref<!tpu.dma_semaphore, #tpu.memory_space<semaphore_mem>>) src(%dma_wait3A_73 : memref<8x2xi32, #tpu.memory_space<hbm>>) dst(%arg5 : memref<8x2xi32, #tpu.memory_space<vmem>>)
      tpu.yield
    }) : () -> ()
    %dma_start3A = arith.constant 0 : i32
    %dma_start3A_3 = arith.constant 0 : i32
    %dma_start3A_4 = tpu.memref_slice %arg5[%dma_start3A, %dma_start3A_3] : memref<8x2xi32, #tpu.memory_space<vmem>> -> memref<1x2xi32, #tpu.memory_space<vmem>>
    %dma_start3A_5 = tpu.memref_squeeze %dma_start3A_4 : memref<1x2xi32, #tpu.memory_space<vmem>> -> memref<2xi32, #tpu.memory_space<vmem>>
    %dma_start3A_6 = arith.constant 0 : i32
    %dma_start3A_7 = arith.constant 0 : i32
    %dma_start3A_8 = tpu.memref_slice %arg3[%dma_start3A_6, %dma_start3A_7] : memref<128x14336xf32, #tpu.memory_space<hbm>> -> memref<128x14336xf32, #tpu.memory_space<hbm>>
    tpu.enqueue_indirect_dma source(%dma_start3A_8 : memref<128x14336xf32, #tpu.memory_space<hbm>>) target(%arg6 : memref<2x14336xf32, #tpu.memory_space<vmem>>) offsets(%dma_start3A_5 : memref<2xi32, #tpu.memory_space<vmem>>) semaphore(%arg8 : memref<!tpu.dma_semaphore, #tpu.memory_space<semaphore_mem>>)
    %dma_start3A_9 = arith.constant 1 : i32
    %dma_start3A_10 = arith.constant 0 : i32
    %dma_start3A_11 = tpu.memref_slice %arg5[%dma_start3A_9, %dma_start3A_10] : memref<8x2xi32, #tpu.memory_space<vmem>> -> memref<1x2xi32, #tpu.memory_space<vmem>>
    %dma_start3A_12 = tpu.memref_squeeze %dma_start3A_11 : memref<1x2xi32, #tpu.memory_space<vmem>> -> memref<2xi32, #tpu.memory_space<vmem>>
    %dma_start3A_13 = arith.constant 0 : i32
    %dma_start3A_14 = arith.constant 0 : i32
    %dma_start3A_15 = tpu.memref_slice %arg3[%dma_start3A_13, %dma_start3A_14] : memref<128x14336xf32, #tpu.memory_space<hbm>> -> memref<128x14336xf32, #tpu.memory_space<hbm>>
    tpu.enqueue_indirect_dma source(%dma_start3A_15 : memref<128x14336xf32, #tpu.memory_space<hbm>>) target(%arg7 : memref<2x14336xf32, #tpu.memory_space<vmem>>) offsets(%dma_start3A_12 : memref<2xi32, #tpu.memory_space<vmem>>) semaphore(%arg9 : memref<!tpu.dma_semaphore, #tpu.memory_space<semaphore_mem>>)
    %scan3A = arith.constant 0 : i32
    %scan3A_16 = arith.constant 0 : i32
    %scan3A_17 = arith.constant 3 : i32
    %scan3A_18 = arith.addi %scan3A_16, %scan3A_17 : i32
    %scan3A_19 = arith.constant 1 : i32
    scf.for %scan3A_58 = %scan3A_16 to %scan3A_18 step %scan3A_19  : i32 {
      %mul3A_59 = arith.constant 2 : i32
      %mul3A_60 = arith.muli %scan3A_58, %mul3A_59 : i32
      %add3A_61 = arith.constant 0 : i32
      %add3A_62 = arith.addi %mul3A_60, %add3A_61 : i32
      %dma_wait3A_63 = arith.constant 0 : i32
      %dma_wait3A_64 = tpu.memref_slice %arg5[%add3A_62, %dma_wait3A_63] : memref<8x2xi32, #tpu.memory_space<vmem>> -> memref<1x2xi32, #tpu.memory_space<vmem>>
      %dma_wait3A_65 = tpu.memref_squeeze %dma_wait3A_64 : memref<1x2xi32, #tpu.memory_space<vmem>> -> memref<2xi32, #tpu.memory_space<vmem>>
      %dma_wait3A_66 = arith.constant 0 : i32
      %dma_wait3A_67 = arith.constant 0 : i32
      %dma_wait3A_68 = tpu.memref_slice %arg3[%dma_wait3A_66, %dma_wait3A_67] : memref<128x14336xf32, #tpu.memory_space<hbm>> -> memref<128x14336xf32, #tpu.memory_space<hbm>>
      tpu.wait_indirect_dma semaphore(%arg8 : memref<!tpu.dma_semaphore, #tpu.memory_space<semaphore_mem>>) src(%dma_wait3A_68 : memref<128x14336xf32, #tpu.memory_space<hbm>>) dst(%arg6 : memref<2x14336xf32, #tpu.memory_space<vmem>>)
      %mul3A_69 = arith.constant 2 : i32
      %mul3A_70 = arith.muli %add3A_62, %mul3A_69 : i32
      %add3A_71 = arith.addi %mul3A_2, %mul3A_70 : i32
      %dma_start3A_72 = arith.constant 0 : i32
      %dma_start3A_73 = tpu.memref_slice %arg4[%add3A_71, %dma_start3A_72] : memref<512x14336xf32, #tpu.memory_space<hbm>> -> memref<2x14336xf32, #tpu.memory_space<hbm>>
      %dma_start3A_74 = arith.constant 0 : i32
      %dma_start3A_75 = tpu.memref_slice %arg4[%add3A_71, %dma_start3A_74] : memref<512x14336xf32, #tpu.memory_space<hbm>> -> memref<2x14336xf32, #tpu.memory_space<hbm>>
      tpu.enqueue_dma source(%arg6 : memref<2x14336xf32, #tpu.memory_space<vmem>>) target(%dma_start3A_75 : memref<2x14336xf32, #tpu.memory_space<hbm>>) target_semaphore(%arg10 : memref<!tpu.dma_semaphore, #tpu.memory_space<semaphore_mem>>)
      %mul3A_76 = arith.constant 2 : i32
      %mul3A_77 = arith.muli %add3A_62, %mul3A_76 : i32
      %add3A_78 = arith.addi %mul3A_2, %mul3A_77 : i32
      %dma_wait3A_79 = arith.constant 0 : i32
      %dma_wait3A_80 = tpu.memref_slice %arg4[%add3A_78, %dma_wait3A_79] : memref<512x14336xf32, #tpu.memory_space<hbm>> -> memref<2x14336xf32, #tpu.memory_space<hbm>>
      %dma_wait3A_81 = arith.constant 0 : i32
      %dma_wait3A_82 = tpu.memref_slice %arg4[%add3A_78, %dma_wait3A_81] : memref<512x14336xf32, #tpu.memory_space<hbm>> -> memref<2x14336xf32, #tpu.memory_space<hbm>>
      tpu.wait_dma2 semaphore(%arg10 : memref<!tpu.dma_semaphore, #tpu.memory_space<semaphore_mem>>) src(%arg6 : memref<2x14336xf32, #tpu.memory_space<vmem>>) dst(%dma_wait3A_82 : memref<2x14336xf32, #tpu.memory_space<hbm>>)
      %add3A_83 = arith.constant 2 : i32
      %add3A_84 = arith.addi %add3A_62, %add3A_83 : i32
      %dma_start3A_85 = arith.constant 0 : i32
      %dma_start3A_86 = tpu.memref_slice %arg5[%add3A_84, %dma_start3A_85] : memref<8x2xi32, #tpu.memory_space<vmem>> -> memref<1x2xi32, #tpu.memory_space<vmem>>
      %dma_start3A_87 = tpu.memref_squeeze %dma_start3A_86 : memref<1x2xi32, #tpu.memory_space<vmem>> -> memref<2xi32, #tpu.memory_space<vmem>>
      %dma_start3A_88 = arith.constant 0 : i32
      %dma_start3A_89 = arith.constant 0 : i32
      %dma_start3A_90 = tpu.memref_slice %arg3[%dma_start3A_88, %dma_start3A_89] : memref<128x14336xf32, #tpu.memory_space<hbm>> -> memref<128x14336xf32, #tpu.memory_space<hbm>>
      tpu.enqueue_indirect_dma source(%dma_start3A_90 : memref<128x14336xf32, #tpu.memory_space<hbm>>) target(%arg6 : memref<2x14336xf32, #tpu.memory_space<vmem>>) offsets(%dma_start3A_87 : memref<2xi32, #tpu.memory_space<vmem>>) semaphore(%arg8 : memref<!tpu.dma_semaphore, #tpu.memory_space<semaphore_mem>>)
      %mul3A_91 = arith.constant 2 : i32
      %mul3A_92 = arith.muli %scan3A_58, %mul3A_91 : i32
      %add3A_93 = arith.constant 1 : i32
      %add3A_94 = arith.addi %mul3A_92, %add3A_93 : i32
      %dma_wait3A_95 = arith.constant 0 : i32
      %dma_wait3A_96 = tpu.memref_slice %arg5[%add3A_94, %dma_wait3A_95] : memref<8x2xi32, #tpu.memory_space<vmem>> -> memref<1x2xi32, #tpu.memory_space<vmem>>
      %dma_wait3A_97 = tpu.memref_squeeze %dma_wait3A_96 : memref<1x2xi32, #tpu.memory_space<vmem>> -> memref<2xi32, #tpu.memory_space<vmem>>
      %dma_wait3A_98 = arith.constant 0 : i32
      %dma_wait3A_99 = arith.constant 0 : i32
      %dma_wait3A_100 = tpu.memref_slice %arg3[%dma_wait3A_98, %dma_wait3A_99] : memref<128x14336xf32, #tpu.memory_space<hbm>> -> memref<128x14336xf32, #tpu.memory_space<hbm>>
      tpu.wait_indirect_dma semaphore(%arg9 : memref<!tpu.dma_semaphore, #tpu.memory_space<semaphore_mem>>) src(%dma_wait3A_100 : memref<128x14336xf32, #tpu.memory_space<hbm>>) dst(%arg7 : memref<2x14336xf32, #tpu.memory_space<vmem>>)
      %mul3A_101 = arith.constant 2 : i32
      %mul3A_102 = arith.muli %add3A_94, %mul3A_101 : i32
      %add3A_103 = arith.addi %mul3A_2, %mul3A_102 : i32
      %dma_start3A_104 = arith.constant 0 : i32
      %dma_start3A_105 = tpu.memref_slice %arg4[%add3A_103, %dma_start3A_104] : memref<512x14336xf32, #tpu.memory_space<hbm>> -> memref<2x14336xf32, #tpu.memory_space<hbm>>
      %dma_start3A_106 = arith.constant 0 : i32
      %dma_start3A_107 = tpu.memref_slice %arg4[%add3A_103, %dma_start3A_106] : memref<512x14336xf32, #tpu.memory_space<hbm>> -> memref<2x14336xf32, #tpu.memory_space<hbm>>
      tpu.enqueue_dma source(%arg7 : memref<2x14336xf32, #tpu.memory_space<vmem>>) target(%dma_start3A_107 : memref<2x14336xf32, #tpu.memory_space<hbm>>) target_semaphore(%arg11 : memref<!tpu.dma_semaphore, #tpu.memory_space<semaphore_mem>>)
      %mul3A_108 = arith.constant 2 : i32
      %mul3A_109 = arith.muli %add3A_94, %mul3A_108 : i32
      %add3A_110 = arith.addi %mul3A_2, %mul3A_109 : i32
      %dma_wait3A_111 = arith.constant 0 : i32
      %dma_wait3A_112 = tpu.memref_slice %arg4[%add3A_110, %dma_wait3A_111] : memref<512x14336xf32, #tpu.memory_space<hbm>> -> memref<2x14336xf32, #tpu.memory_space<hbm>>
      %dma_wait3A_113 = arith.constant 0 : i32
      %dma_wait3A_114 = tpu.memref_slice %arg4[%add3A_110, %dma_wait3A_113] : memref<512x14336xf32, #tpu.memory_space<hbm>> -> memref<2x14336xf32, #tpu.memory_space<hbm>>
      tpu.wait_dma2 semaphore(%arg11 : memref<!tpu.dma_semaphore, #tpu.memory_space<semaphore_mem>>) src(%arg7 : memref<2x14336xf32, #tpu.memory_space<vmem>>) dst(%dma_wait3A_114 : memref<2x14336xf32, #tpu.memory_space<hbm>>)
      %add3A_115 = arith.constant 2 : i32
      %add3A_116 = arith.addi %add3A_94, %add3A_115 : i32
      %dma_start3A_117 = arith.constant 0 : i32
      %dma_start3A_118 = tpu.memref_slice %arg5[%add3A_116, %dma_start3A_117] : memref<8x2xi32, #tpu.memory_space<vmem>> -> memref<1x2xi32, #tpu.memory_space<vmem>>
      %dma_start3A_119 = tpu.memref_squeeze %dma_start3A_118 : memref<1x2xi32, #tpu.memory_space<vmem>> -> memref<2xi32, #tpu.memory_space<vmem>>
      %dma_start3A_120 = arith.constant 0 : i32
      %dma_start3A_121 = arith.constant 0 : i32
      %dma_start3A_122 = tpu.memref_slice %arg3[%dma_start3A_120, %dma_start3A_121] : memref<128x14336xf32, #tpu.memory_space<hbm>> -> memref<128x14336xf32, #tpu.memory_space<hbm>>
      tpu.enqueue_indirect_dma source(%dma_start3A_122 : memref<128x14336xf32, #tpu.memory_space<hbm>>) target(%arg7 : memref<2x14336xf32, #tpu.memory_space<vmem>>) offsets(%dma_start3A_119 : memref<2xi32, #tpu.memory_space<vmem>>) semaphore(%arg9 : memref<!tpu.dma_semaphore, #tpu.memory_space<semaphore_mem>>)
    }
    %scan3A_20 = arith.constant 3 : i32
    %dma_wait3A = arith.constant 6 : i32
    %dma_wait3A_21 = arith.constant 0 : i32
    %dma_wait3A_22 = tpu.memref_slice %arg5[%dma_wait3A, %dma_wait3A_21] : memref<8x2xi32, #tpu.memory_space<vmem>> -> memref<1x2xi32, #tpu.memory_space<vmem>>
    %dma_wait3A_23 = tpu.memref_squeeze %dma_wait3A_22 : memref<1x2xi32, #tpu.memory_space<vmem>> -> memref<2xi32, #tpu.memory_space<vmem>>
    %dma_wait3A_24 = arith.constant 0 : i32
    %dma_wait3A_25 = arith.constant 0 : i32
    %dma_wait3A_26 = tpu.memref_slice %arg3[%dma_wait3A_24, %dma_wait3A_25] : memref<128x14336xf32, #tpu.memory_space<hbm>> -> memref<128x14336xf32, #tpu.memory_space<hbm>>
    tpu.wait_indirect_dma semaphore(%arg8 : memref<!tpu.dma_semaphore, #tpu.memory_space<semaphore_mem>>) src(%dma_wait3A_26 : memref<128x14336xf32, #tpu.memory_space<hbm>>) dst(%arg6 : memref<2x14336xf32, #tpu.memory_space<vmem>>)
    %add3A_27 = arith.constant 12 : i32
    %add3A_28 = arith.addi %mul3A_2, %add3A_27 : i32
    %dma_start3A_29 = arith.constant 0 : i32
    %dma_start3A_30 = tpu.memref_slice %arg4[%add3A_28, %dma_start3A_29] : memref<512x14336xf32, #tpu.memory_space<hbm>> -> memref<2x14336xf32, #tpu.memory_space<hbm>>
    %dma_start3A_31 = arith.constant 0 : i32
    %dma_start3A_32 = tpu.memref_slice %arg4[%add3A_28, %dma_start3A_31] : memref<512x14336xf32, #tpu.memory_space<hbm>> -> memref<2x14336xf32, #tpu.memory_space<hbm>>
    tpu.enqueue_dma source(%arg6 : memref<2x14336xf32, #tpu.memory_space<vmem>>) target(%dma_start3A_32 : memref<2x14336xf32, #tpu.memory_space<hbm>>) target_semaphore(%arg10 : memref<!tpu.dma_semaphore, #tpu.memory_space<semaphore_mem>>)
    %dma_wait3A_33 = arith.constant 7 : i32
    %dma_wait3A_34 = arith.constant 0 : i32
    %dma_wait3A_35 = tpu.memref_slice %arg5[%dma_wait3A_33, %dma_wait3A_34] : memref<8x2xi32, #tpu.memory_space<vmem>> -> memref<1x2xi32, #tpu.memory_space<vmem>>
    %dma_wait3A_36 = tpu.memref_squeeze %dma_wait3A_35 : memref<1x2xi32, #tpu.memory_space<vmem>> -> memref<2xi32, #tpu.memory_space<vmem>>
    %dma_wait3A_37 = arith.constant 0 : i32
    %dma_wait3A_38 = arith.constant 0 : i32
    %dma_wait3A_39 = tpu.memref_slice %arg3[%dma_wait3A_37, %dma_wait3A_38] : memref<128x14336xf32, #tpu.memory_space<hbm>> -> memref<128x14336xf32, #tpu.memory_space<hbm>>
    tpu.wait_indirect_dma semaphore(%arg9 : memref<!tpu.dma_semaphore, #tpu.memory_space<semaphore_mem>>) src(%dma_wait3A_39 : memref<128x14336xf32, #tpu.memory_space<hbm>>) dst(%arg7 : memref<2x14336xf32, #tpu.memory_space<vmem>>)
    %add3A_40 = arith.constant 14 : i32
    %add3A_41 = arith.addi %mul3A_2, %add3A_40 : i32
    %dma_start3A_42 = arith.constant 0 : i32
    %dma_start3A_43 = tpu.memref_slice %arg4[%add3A_41, %dma_start3A_42] : memref<512x14336xf32, #tpu.memory_space<hbm>> -> memref<2x14336xf32, #tpu.memory_space<hbm>>
    %dma_start3A_44 = arith.constant 0 : i32
    %dma_start3A_45 = tpu.memref_slice %arg4[%add3A_41, %dma_start3A_44] : memref<512x14336xf32, #tpu.memory_space<hbm>> -> memref<2x14336xf32, #tpu.memory_space<hbm>>
    tpu.enqueue_dma source(%arg7 : memref<2x14336xf32, #tpu.memory_space<vmem>>) target(%dma_start3A_45 : memref<2x14336xf32, #tpu.memory_space<hbm>>) target_semaphore(%arg11 : memref<!tpu.dma_semaphore, #tpu.memory_space<semaphore_mem>>)
    %add3A_46 = arith.constant 12 : i32
    %add3A_47 = arith.addi %mul3A_2, %add3A_46 : i32
    %dma_wait3A_48 = arith.constant 0 : i32
    %dma_wait3A_49 = tpu.memref_slice %arg4[%add3A_47, %dma_wait3A_48] : memref<512x14336xf32, #tpu.memory_space<hbm>> -> memref<2x14336xf32, #tpu.memory_space<hbm>>
    %dma_wait3A_50 = arith.constant 0 : i32
    %dma_wait3A_51 = tpu.memref_slice %arg4[%add3A_47, %dma_wait3A_50] : memref<512x14336xf32, #tpu.memory_space<hbm>> -> memref<2x14336xf32, #tpu.memory_space<hbm>>
    tpu.wait_dma2 semaphore(%arg10 : memref<!tpu.dma_semaphore, #tpu.memory_space<semaphore_mem>>) src(%arg6 : memref<2x14336xf32, #tpu.memory_space<vmem>>) dst(%dma_wait3A_51 : memref<2x14336xf32, #tpu.memory_space<hbm>>)
    %add3A_52 = arith.constant 14 : i32
    %add3A_53 = arith.addi %mul3A_2, %add3A_52 : i32
    %dma_wait3A_54 = arith.constant 0 : i32
    %dma_wait3A_55 = tpu.memref_slice %arg4[%add3A_53, %dma_wait3A_54] : memref<512x14336xf32, #tpu.memory_space<hbm>> -> memref<2x14336xf32, #tpu.memory_space<hbm>>
    %dma_wait3A_56 = arith.constant 0 : i32
    %dma_wait3A_57 = tpu.memref_slice %arg4[%add3A_53, %dma_wait3A_56] : memref<512x14336xf32, #tpu.memory_space<hbm>> -> memref<2x14336xf32, #tpu.memory_space<hbm>>
    tpu.wait_dma2 semaphore(%arg11 : memref<!tpu.dma_semaphore, #tpu.memory_space<semaphore_mem>>) src(%arg7 : memref<2x14336xf32, #tpu.memory_space<vmem>>) dst(%dma_wait3A_57 : memref<2x14336xf32, #tpu.memory_space<hbm>>)
    return
  }
}

</mosaic_0001>

<sc_bundles>
// kernel: kernel.3.cloned.1.call-start
scs
__scs_entry_jumppad:
0x0: {  	(pc) =	sbr.rel $0x88, $3  }
0x1: {  	(tag) =	ssettag $0x0;
	lr =	simm.s32 $0x1  }
0x2: {  	[smem:$0x3F9F] =	sst lr;
	_ =	strace $0xD0000000  }
0x3: {  	_ = 	snop  }
0x4: {  	_ = 	snop  }
0x5: {  	_ = 	snop  }
0x6: {  	_ = 	snop  }
0x7: {  	_ = 	snop  }
__scs_overlays_trampoline_lowered:
0x8: {  	[smem:$0x3FAE] =	sst s0  }
0x9: {  	[smem:$0x3FAF] =	sst s1  }
0xa: {  	[smem:$0x3FB0] =	sst s2  }
0xb: {  	[smem:$0x3FB1] =	sst s3  }
0xc: {  	[smem:$0x3FB2] =	sst s4  }
0xd: {  	[smem:$0x3FB3] =	sst s5  }
0xe: {  	[smem:$0x3FB4] =	sst s6  }
0xf: {  	[smem:$0x3FB5] =	sst s7  }
0x10: {  	[smem:$0x3FB6] =	sst s8  }
0x11: {  	[smem:$0x3FB7] =	sst s9;
	s0 =	simm.s32 @!p0 $0x0  }
0x12: {  	s1 =	sld [smem:$0x3F9D];
	s0 =	simm.s32 @p0 $0x1  }
0x13: {  	[smem:$0x3FB8] =	sst s0;
	s0 =	simm.s32 @!p1 $0x0  }
0x14: {  	s2 =	sld [smem:$0x3F9C];
	s0 =	simm.s32 @p1 $0x1  }
0x15: {  	[smem:$0x3FB9] =	sst s0;
	s0 =	simm.s32 @!p2 $0x0  }
0x16: {  	s3 =	sld [smem:$0x3FDB];
	s0 =	simm.s32 @p2 $0x1  }
0x17: {  	s4 =	simm.s32 $0x1BF5;
	[smem:$0x3FBB] =	sst s0  }
0x18: {  	s0 =	sld [smem:$0x3F9E];
	_ =	swait.ge [sflag:s4], $0x0  }
0x19: {  	s7 =	sld [smem:$0x3F9F]  }
0x1a: {  	s8 =	sadd.s32 $0xFFFFE003, lr  }
0x1b: {  	s9 =	sadd.s32 $0xFFFFFEF7, lr;
	s5 =	simm.s32 $0xFFFFFFFF;
	p2 =	slt.u32 s8, $0xFFFFF086  }
0x1c: {  	p1 =	slt.u32 s9, $0xF7A;
	s5 =	simm.s32 @!p2 $0x0  }
0x1d: {  	s5 =	simm.s32 @p1 $0x1;
	p0 =	seq.s32 s7, s2  }
0x1e: {  	s7 =	smul.u32 @!p0 $0xF7A, s2;
	p2 =	seq.s32 @!p0 s5, $0x0  }
0x1f: {  	s9 =	smul.u32 $0xF7A, s1;
	s8 =	simm.s32 @!p0 $0x1BF5;
	p2 =	por !p2, p0  }
0x20: {  	[sflag:s8] =	ssyncset.s32 @!p0 $0xFFFFF086;
	s6 =	sadd.s32 @!p0 s3, s7;
	s7 =	simm.s32 @!p0 $0x108  }
0x21: {  	s3 =	sadd.s32 s3, s9;
	s6 =	sadd.s32 @!p0 $0x88, s6;
	s7 =	simm.s32 @p2 $0x1082  }
0x22: {  	[simem:s7], [sflag:s8] =	dma.local @!p0 [hbm:s6], $0xF7A  }
0x23: {  	s9 =	sor.u32 $0xD0000000, s2;
	s6 =	simm.s32 $0x108;
	_ =	swait.ge @!p0 [sflag:s8], $0x0  }
0x24: {  	s3 =	sadd.s32 $0x88, s3;
	s6 =	simm.s32 @!p1 $0x1082;
	[sflag:s4] =	ssyncset.s32 $0xFFFFF086  }
0x25: {  	[simem:s6], [sflag:s4] =	dma.local [hbm:s3], $0xF7A  }
0x26: {  	[smem:$0x3F9F] =	sst s1;
	(tag) =	ssettag s2;
	_ =	strace s9  }
0x27: {  	s1 =	sld [smem:$0x3FAF]  }
0x28: {  	s2 =	sld [smem:$0x3FB0]  }
0x29: {  	s4 =	sld [smem:$0x3FB2]  }
0x2a: {  	p0 =	seq.s32 s5, $0x0;
	s5 =	sld [smem:$0x3FB3]  }
0x2b: {  	s6 =	sld [smem:$0x3FB4]  }
0x2c: {  	s7 =	sld [smem:$0x3FB5]  }
0x2d: {  	s3 =	simm.s32 $0x108;
	s8 =	sld [smem:$0x3FB6]  }
0x2e: {  	s3 =	simm.s32 @!p0 $0x1082;
	s9 =	sld [smem:$0x3FB7]  }
0x2f: {  	lr =	sadd.s32 s0, s3;
	s0 =	sld [smem:$0x3FAE]  }
0x30: {  	s3 =	sld [smem:$0x3FB1]  }
0x31: {  	[smem:$0x3FBA] =	sst s10  }
0x32: {  	s10 =	sld [smem:$0x3FB8];
	_ =	sdelay $0x3  }
0x33: {  	p0 =	seq.s32 s10, $0x1;
	s10 =	sld [smem:$0x3FBA];
	_ =	sdelay $0x3  }
0x34: {  	[smem:$0x3FBA] =	sst s10  }
0x35: {  	s10 =	sld [smem:$0x3FB9];
	_ =	sdelay $0x3  }
0x36: {  	p1 =	seq.s32 s10, $0x1;
	s10 =	sld [smem:$0x3FBA];
	_ =	sdelay $0x3  }
0x37: {  	[smem:$0x3FBA] =	sst s10  }
0x38: {  	s10 =	sld [smem:$0x3FBB]  }
0x39: {  	_ = 	snop;
	(pc) =	sbr.ind lr, $3  }
0x3a: {  	_ = 	snop  }
0x3b: {  	_ = 	snop  }
0x3c: {  	p2 =	seq.s32 s10, $0x1;
	s10 =	sld [smem:$0x3FBA]  }
0x3d: {  	_ =	shalt  }
0x3e: {  	_ =	shalt  }
0x3f: {  	_ =	shalt  }
0x40: {  	_ =	shalt  }
0x41: {  	_ =	shalt  }
0x42: {  	_ =	shalt  }
0x43: {  	_ =	shalt  }
0x44: {  	_ =	shalt  }
0x45: {  	_ =	shalt  }
0x46: {  	_ =	shalt  }
0x47: {  	_ =	shalt  }
0x48: {  	_ =	shalt  }
0x49: {  	_ =	shalt  }
0x4a: {  	_ =	shalt  }
0x4b: {  	_ =	shalt  }
0x4c: {  	_ =	shalt  }
0x4d: {  	_ =	shalt  }
0x4e: {  	_ =	shalt  }
0x4f: {  	_ =	shalt  }
0x50: {  	_ =	shalt  }
0x51: {  	_ =	shalt  }
0x52: {  	_ =	shalt  }
0x53: {  	_ =	shalt  }
0x54: {  	_ =	shalt  }
0x55: {  	_ =	shalt  }
0x56: {  	_ =	shalt  }
0x57: {  	_ =	shalt  }
0x58: {  	_ =	shalt  }
0x59: {  	_ =	shalt  }
0x5a: {  	_ =	shalt  }
0x5b: {  	_ =	shalt  }
0x5c: {  	_ =	shalt  }
0x5d: {  	_ =	shalt  }
0x5e: {  	_ =	shalt  }
0x5f: {  	_ =	shalt  }
0x60: {  	_ =	shalt  }
0x61: {  	_ =	shalt  }
0x62: {  	_ =	shalt  }
0x63: {  	_ =	shalt  }
0x64: {  	_ =	shalt  }
0x65: {  	_ =	shalt  }
0x66: {  	_ =	shalt  }
0x67: {  	_ =	shalt  }
0x68: {  	_ =	shalt  }
0x69: {  	_ =	shalt  }
0x6a: {  	_ =	shalt  }
0x6b: {  	_ =	shalt  }
0x6c: {  	_ =	shalt  }
0x6d: {  	_ =	shalt  }
0x6e: {  	_ =	shalt  }
0x6f: {  	_ =	shalt  }
0x70: {  	_ =	shalt  }
0x71: {  	_ =	shalt  }
0x72: {  	_ =	shalt  }
0x73: {  	_ =	shalt  }
0x74: {  	_ =	shalt  }
0x75: {  	_ =	shalt  }
0x76: {  	_ =	shalt  }
0x77: {  	_ =	shalt  }
0x78: {  	_ =	shalt  }
0x79: {  	_ =	shalt  }
0x7a: {  	_ =	shalt  }
0x7b: {  	_ =	shalt  }
0x7c: {  	_ =	shalt  }
0x7d: {  	_ =	shalt  }
0x7e: {  	_ =	shalt  }
0x7f: {  	_ =	shalt  }
0x80: {  	_ =	shalt  }
0x81: {  	_ =	shalt  }
0x82: {  	_ =	shalt  }
0x83: {  	_ =	shalt  }
0x84: {  	_ =	shalt  }
0x85: {  	_ =	shalt  }
0x86: {  	_ =	shalt  }
0x87: {  	_ =	shalt  }
.Lfunc_end0:
.L_simem_size_0:
called_computation_lowered:
.L_overlay_start_0:
0x88: {  	s2 =	sld [smem:$0x3FD9]  }
0x89: {  	s3 =	sld [smem:$0x3FFE];
	_ =	sdelay $0x1  }
0x8a: {  	s1 =	srdreg.scid  }
0x8b: {  	s0 =	sand.u32 $0x1, s1  }
0x8c: {  	s17 =	sshll.u32 s0, $0xA;
	s2 =	sadd.s32 s3, s2  }
0x8d: {  	s2 =	sadd.s32 s2, s17  }
0x8e: {  	[smem:$0x3FC6] =	sst s2  }
0x8f: {  	_ = 	snop  }
0x90: {  	s2 =	sld [smem:$0x3FC8]  }
0x91: {  	s18 =	sld [smem:$0x3FD0];
	(tm) =	ssettm $0x1  }
0x92: {  	s4 =	sld [smem:$0x3FFB];
	_ =	sdelay $0x3  }
0x93: {  	_ =	strace s4  }
0x94: {  	s4 =	sld [smem:$0x3FFC];
	_ =	sdelay $0x3  }
0x95: {  	_ =	strace s4  }
0x96: {  	s4 =	sld [smem:$0x3FFD];
	_ =	sdelay $0x3  }
0x97: {  	_ =	strace s4  }
0x98: {  	_ =	strace $0x8FFFFFFF  }
0x99: {  	s19 =	sld [smem:$0x3FDB];
	_ =	sdelay $0x1  }
0x9a: {  	s5 =	simm.s32 $_scs_section_size  }
0x9b: {  	s6 =	simm.s32 $_size__tile_overlayer_lowered;
	s7 =	simm.s32 $_tile_overlayer_lowered  }
0x9c: {  	s22 =	simm.s32 $0x1BFF;
	s21 =	sshll.u32 s7, $0x1;
	s4 =	sadd.s32 s5, s19  }
0x9d: {  	s8 =	simm.s32 $0x0;
	s20 =	sshll.u32 s6, $0x1;
	s6 =	sadd.s32 s21, s4  }
0x9e: {  	[timem:s8], [sflag:s22] =	dma.local [hbm:s6], s20  }
0x9f: {  	_ =	swait.ge [sflag:s22], s20  }
0xa0: {  	s5 =	ssub.s32 $0x0, s20;
	[sflag:s22] =	ssyncset.done $0x0  }
0xa1: {  	[sflag:s22] =	ssyncadd.s32 s5;
	_ =	sdelay $0x1  }
0xa2: {  	s23 =	simm.s32 $0x1B8B  }
0xa3: {  	_ =	swait.ge [sflag:s23], $0x1  }
0xa4: {  	[sflag:s23] =	ssyncset.done $0x0  }
0xa5: {  	s25 =	simm.s32 $0x1B8E;
	s24 =	sld [smem:$0x3FFE];
	[sflag:s23] =	ssyncadd.s32 $0xFFFFFFFF  }
0xa6: {  	s26 =	simm.s32 $execute0_lowered;
	[smem:$0x3FD2] =	sst s25  }
0xa7: {  	s6 =	sshll.u32 s26, $0x1;
	_ =	strace $0x80000046;
	[dreg:$0x1] =	wrdreg $0xFFFFFFFF  }
0xa8: {  	s28 =	simm.s32 $_size_execute0_lowered;
	s4 =	sadd.s32 s4, s6;
	[dreg:$0x0] =	wrdreg $0x0  }
0xa9: {  	s6 =	sshll.u32 s28, $0x1;
	[dreg:$0x2] =	wrdreg s4  }
0xaa: {  	[dreg:$0x3] =	wrdreg s6  }
0xab: {  	[dreg:$0x4] =	wrdreg $0xC0  }
0xac: {  	_ =	task [dreg:s8], $0x5FFFF  }
0xad: {  	[dreg:$0x1] =	wrdreg $0xFFFFFFFF  }
0xae: {  	[dreg:$0x0] =	wrdreg $0x60  }
0xaf: {  	[dreg:$0x2] =	wrdreg s24  }
0xb0: {  	[dreg:$0x3] =	wrdreg s2  }
0xb1: {  	[dreg:$0x4] =	wrdreg s18  }
0xb2: {  	[dreg:$0x5] =	wrdreg $0x9  }
0xb3: {  	_ =	task.clear_ibuf [dreg:s8], $0x6FFFF;
	_ =	strace $0x90000046  }
0xb4: {  	s29 =	simm.s32 $0x9;
	_ =	strace $0x80000048  }
0xb5: {  	_ =	swait.ge [sflag:s29], $0x1  }
0xb6: {  	[sflag:s29] =	ssyncadd.s32 $0xFFFFFFFF  }
0xb7: {  	_ =	strace $0x90000048  }
0xb8: {  	_ =	sfence  }
0xb9: {  	s30 =	sld [smem:$0x0];
	_ =	sdelay $0x2  }
0xba: {  	s31 =	sshll.u32 s1, $0xD;
	s1 =	sshrl.u32 s1, $0x2  }
0xbb: {  	s3 =	sand.u32 $0x4000, s31;
	s1 =	sadd.s32 s1, s30  }
0xbc: {  	s0 =	sor.u32 s3, s0;
	s1 =	sshll.u32 s1, $0x11  }
0xbd: {  	s0 =	sor.u32 s1, s0  }
0xbe: {  	s0 =	sadd.s32 $0x8F2B, s0  }
0xbf: {  	[sflag:s0] =	ssyncadd.remote.s32 $0x1  }
0xc0: {  	_ =	sfence.sel $0xFFFF  }
0xc1: {  	[dreg:$0x0] =	wrdreg $0xFFFFFFFF;
	(pc) =	sbr.abs _section_cstart, $3  }
0xc2: {  	[dreg:$0x1] =	wrdreg $0xFFFFFFFF  }
0xc3: {  	_ =	task.clear_ibuf [dreg:s8], $0x2FFFF;
	_ =	strace $0x9FFFFFFF  }
0xc4: {  	(tm) =	ssettm $0x7FFFFFFF  }
0xc5: {  	_ =	shalt  }
tec
execute0_lowered:
.L_overlay_start_1:
0x0: {  	(tag) =	ssettag $0x1  }
0x1: {  	s0 =	rddreg [dreg:$0x0]  }
0x2: {  	s21 =	rddreg [dreg:$0x1]  }
0x3: {  	s1 =	srdreg.scid;
	s19 =	stileid.u32  }
0x4: {  	s18 =	rddreg [dreg:$0x2];
	s4 =	simm.s32 $0x0;
	s20 =	simm.s32 $0x2400  }
0x5: {  	s2 =	simm.s32 $0x2C00;
	s29 =	simm.s32 $0x3400;
	s30 =	simm.s32 $0x3C00  }
0x6: {  	s31 =	simm.s32 $0x4400;
	s28 =	simm.s32 $0x4;
	s1 =	sand.u32 $0x1, s1  }
0x7: {  	s3 =	sshll.u32 s19, $0x1;
	[smem:$0x7FF] =	sst s4;
	s7 =	sadd.s32 $0x800, s21  }
0x8: {  	s8 =	sadd.s32 $0xC00, s21;
	s9 =	sadd.s32 $0x1000, s21;
	s10 =	sadd.s32 $0x1400, s21  }
0x9: {  	s11 =	sadd.s32 $0x1800, s21;
	s12 =	sadd.s32 $0x1C00, s21;
	s13 =	sadd.s32 $0x2000, s21  }
0xa: {  	s14 =	sadd.s32 $0x2400, s21;
	s15 =	sadd.s32 $0x2800, s21;
	s16 =	sadd.s32 $0x2C00, s21  }
0xb: {  	s17 =	sadd.s32 $0x3000, s21;
	s26 =	sshll.u32 s19, $0x5;
	s19 =	simm.s32 $0x1C00  }
0xc: {  	s3 =	sor.u32 s1, s3;
	s6 =	ssub.s32 $0x2, s1;
	_ =	strace $0x80000047  }
0xd: {  	s1 =	sshll.u32 s1, $0x4;
	s5 =	sshll.u32 s3, $0x7;
	s22 =	sshrl.u32 s6, $0x1  }
0xe: {  	s23 =	smul.u32 $0x38000, s3;
	s3 =	simm.s32 $0x100;
	s0 =	sadd.s32 s5, s0  }
0xf: {  	s5 =	ssub.s32 s6, s22;
	s6 =	sadd.s32 $0x400, s21;
	s0 =	sadd.s32 $0x400, s0  }
0x10: {  	s22 =	simm.s32 $0x1;
	[dreg:$0x4] =	wrdreg s0;
	s0 =	sshrl.u32 s23, $0x3  }
0x11: {  	s25 =	smax.u32 s5, $0x1;
	s5 =	simm.s32 $0x1400;
	s0 =	sadd.s32 s18, s0  }
0x12: {  	[dreg:$0x7] =	wrdreg s25;
	s23 =	simm.s32 $0x7400;
	s24 =	sadd.s32 $0x3840, s0  }
0x13: {  	s25 =	simm.s32 $0x3;
	s0 =	sadd.s32 $0x3860, s0;
	[dreg:$0x5] =	wrdreg s24  }
0x14: {  	v0 =	vlaneseq.u32;
	s18 =	sadd.s32 $0x3400, s21;
	[dreg:$0x6] =	wrdreg s0;
	s0 =	sor.u32 s1, s26  }
0x15: {  	v1 =	vshrl.u32 v0, $0x1;
	s24 =	simm.s32 $0x400;
	[dreg:$0x8] =	wrdreg s0;
	s0 =	simm.s32 $0x0  }
0x16: {  	vm0 =	vmmov $0xffff;
	v0 =	vand.u32 $0x1, v0;
	v1 =	vmul.u32 $0x8, v1;
	s1 =	simm.s32 $0xC00;
	s26 =	simm.s32 $0x2;
	[dreg:$0x9] =	wrdreg s0  }
.LBB2_1:
0x17: {  	s0 =	rddreg [dreg:$0x4]  }
0x18: {  	[tilespmem:s4], [sflag:$0x5] =	stream.linear.gather [hbm4b:s0+s4], $0x400, $0x38;
	[tilespmem:$0xE400] =	vst v63  }
0x19: {  	s0 =	simm.s32 $0x5  }
0x1a: {  	_ =	swait.ge [sflag:s0], $0x400  }
0x1b: {  	[sflag:s0] =	ssyncset.done $0x0  }
0x1c: {  	[sflag:s0] =	ssyncadd.s32 $0xFFFFFC00  }
0x1d: {  	v2 =	vld.msk [tilespmem:$0x0], $0x3;
	_ =	sdelay $0x4  }
0x1e: {  	v3 =	vshrl.u32 v2, $0x3  }
0x1f: {  	v3 =	vmul.u32 $0x380, v3  }
0x20: {  	v2 =	vand.u32 $0x7, v2  }
0x21: {  	v2 =	vor.u32 v2, v3  }
0x22: {  	v2 =	vperm.xlane v2, v0;
	_ =	sdelay $0x1  }
0x23: {  	v2 =	vadd.s32 v1, v2;
	_ =	sdelay $0x4  }
0x24: {  	[tilespmem:s24], [sflag:$0x1] =	stream.indirect_vreg.gather [hbm4b:s21+s4], $0x80, v2, vm0, $0xb8;
	[tilespmem:$0xE400] =	vst v63  }
0x25: {  	_ = 	snop  }
0x26: {  	[tilespmem:s1], [sflag:$0x1] =	stream.indirect_vreg.gather [hbm4b:s6+s4], $0x80, v2, vm0, $0xb8;
	[tilespmem:$0xE400] =	vst v63  }
0x27: {  	_ = 	snop  }
0x28: {  	[tilespmem:s5], [sflag:$0x1] =	stream.indirect_vreg.gather [hbm4b:s7+s4], $0x80, v2, vm0, $0xb8;
	[tilespmem:$0xE400] =	vst v63  }
0x29: {  	_ = 	snop  }
0x2a: {  	[tilespmem:s19], [sflag:$0x1] =	stream.indirect_vreg.gather [hbm4b:s8+s4], $0x80, v2, vm0, $0xb8;
	[tilespmem:$0xE400] =	vst v63  }
0x2b: {  	_ = 	snop  }
0x2c: {  	[tilespmem:s20], [sflag:$0x1] =	stream.indirect_vreg.gather [hbm4b:s9+s4], $0x80, v2, vm0, $0xb8;
	[tilespmem:$0xE400] =	vst v63  }
0x2d: {  	_ = 	snop  }
0x2e: {  	[tilespmem:s2], [sflag:$0x1] =	stream.indirect_vreg.gather [hbm4b:s10+s4], $0x80, v2, vm0, $0xb8;
	[tilespmem:$0xE400] =	vst v63  }
0x2f: {  	_ = 	snop  }
0x30: {  	[tilespmem:s29], [sflag:$0x1] =	stream.indirect_vreg.gather [hbm4b:s11+s4], $0x80, v2, vm0, $0xb8;
	[tilespmem:$0xE400] =	vst v63  }
0x31: {  	_ = 	snop  }
0x32: {  	[tilespmem:s30], [sflag:$0x1] =	stream.indirect_vreg.gather [hbm4b:s12+s4], $0x80, v2, vm0, $0xb8;
	[tilespmem:$0xE400] =	vst v63  }
0x33: {  	_ = 	snop  }
0x34: {  	[tilespmem:s31], [sflag:$0x1] =	stream.indirect_vreg.gather [hbm4b:s13+s4], $0x80, v2, vm0, $0xb8;
	[tilespmem:$0xE400] =	vst v63  }
0x35: {  	s5 =	simm.s32 $0x4C00  }
0x36: {  	[tilespmem:s5], [sflag:$0x1] =	stream.indirect_vreg.gather [hbm4b:s14+s4], $0x80, v2, vm0, $0xb8;
	[tilespmem:$0xE400] =	vst v63  }
0x37: {  	s19 =	simm.s32 $0x5400  }
0x38: {  	[tilespmem:s19], [sflag:$0x1] =	stream.indirect_vreg.gather [hbm4b:s15+s4], $0x80, v2, vm0, $0xb8;
	[tilespmem:$0xE400] =	vst v63  }
0x39: {  	s20 =	simm.s32 $0x5C00  }
0x3a: {  	[tilespmem:s20], [sflag:$0x1] =	stream.indirect_vreg.gather [hbm4b:s16+s4], $0x80, v2, vm0, $0xb8;
	[tilespmem:$0xE400] =	vst v63  }
0x3b: {  	s1 =	simm.s32 $0x6400  }
0x3c: {  	[tilespmem:s1], [sflag:$0x1] =	stream.indirect_vreg.gather [hbm4b:s17+s4], $0x80, v2, vm0, $0xb8;
	[tilespmem:$0xE400] =	vst v63  }
0x3d: {  	s2 =	simm.s32 $0x6C00  }
0x3e: {  	[tilespmem:s2], [sflag:$0x1] =	stream.indirect_vreg.gather [hbm4b:s18+s4], $0x80, v2, vm0, $0xb8;
	[tilespmem:$0xE400] =	vst v63  }
0x3f: {  	v2 =	vld.msk [tilespmem:$0x80], $0x3;
	_ =	sdelay $0x4  }
0x40: {  	v3 =	vshrl.u32 v2, $0x3  }
0x41: {  	v3 =	vmul.u32 $0x380, v3  }
0x42: {  	v2 =	vand.u32 $0x7, v2  }
0x43: {  	v2 =	vor.u32 v2, v3  }
0x44: {  	v2 =	vperm.xlane v2, v0;
	_ =	sdelay $0x1  }
0x45: {  	v2 =	vadd.s32 v1, v2;
	_ =	sdelay $0x4  }
0x46: {  	[tilespmem:s23], [sflag:$0x2] =	stream.indirect_vreg.gather [hbm4b:s21+s4], $0x80, v2, vm0, $0xb8;
	[tilespmem:$0xE400] =	vst v63  }
0x47: {  	s5 =	simm.s32 $0x7C00  }
0x48: {  	[tilespmem:s5], [sflag:$0x2] =	stream.indirect_vreg.gather [hbm4b:s6+s4], $0x80, v2, vm0, $0xb8;
	[tilespmem:$0xE400] =	vst v63  }
0x49: {  	s19 =	simm.s32 $0x8400  }
0x4a: {  	[tilespmem:s19], [sflag:$0x2] =	stream.indirect_vreg.gather [hbm4b:s7+s4], $0x80, v2, vm0, $0xb8;
	[tilespmem:$0xE400] =	vst v63  }
0x4b: {  	s20 =	simm.s32 $0x8C00  }
0x4c: {  	[tilespmem:s20], [sflag:$0x2] =	stream.indirect_vreg.gather [hbm4b:s8+s4], $0x80, v2, vm0, $0xb8;
	[tilespmem:$0xE400] =	vst v63  }
0x4d: {  	s1 =	simm.s32 $0x9400  }
0x4e: {  	[tilespmem:s1], [sflag:$0x2] =	stream.indirect_vreg.gather [hbm4b:s9+s4], $0x80, v2, vm0, $0xb8;
	[tilespmem:$0xE400] =	vst v63  }
0x4f: {  	s2 =	simm.s32 $0x9C00  }
0x50: {  	[tilespmem:s2], [sflag:$0x2] =	stream.indirect_vreg.gather [hbm4b:s10+s4], $0x80, v2, vm0, $0xb8;
	[tilespmem:$0xE400] =	vst v63  }
0x51: {  	s5 =	simm.s32 $0xA400  }
0x52: {  	[tilespmem:s5], [sflag:$0x2] =	stream.indirect_vreg.gather [hbm4b:s11+s4], $0x80, v2, vm0, $0xb8;
	[tilespmem:$0xE400] =	vst v63  }
0x53: {  	s19 =	simm.s32 $0xAC00  }
0x54: {  	[tilespmem:s19], [sflag:$0x2] =	stream.indirect_vreg.gather [hbm4b:s12+s4], $0x80, v2, vm0, $0xb8;
	[tilespmem:$0xE400] =	vst v63  }
0x55: {  	s20 =	simm.s32 $0xB400  }
0x56: {  	[tilespmem:s20], [sflag:$0x2] =	stream.indirect_vreg.gather [hbm4b:s13+s4], $0x80, v2, vm0, $0xb8;
	[tilespmem:$0xE400] =	vst v63  }
0x57: {  	s1 =	simm.s32 $0xBC00  }
0x58: {  	[tilespmem:s1], [sflag:$0x2] =	stream.indirect_vreg.gather [hbm4b:s14+s4], $0x80, v2, vm0, $0xb8;
	[tilespmem:$0xE400] =	vst v63  }
0x59: {  	s2 =	simm.s32 $0xC400  }
0x5a: {  	[tilespmem:s2], [sflag:$0x2] =	stream.indirect_vreg.gather [hbm4b:s15+s4], $0x80, v2, vm0, $0xb8;
	[tilespmem:$0xE400] =	vst v63  }
0x5b: {  	s29 =	simm.s32 $0x180;
	s30 =	rddreg [dreg:$0x8];
	s5 =	simm.s32 $0xCC00  }
0x5c: {  	[tilespmem:s5], [sflag:$0x2] =	stream.indirect_vreg.gather [hbm4b:s16+s4], $0x80, v2, vm0, $0xb8;
	[tilespmem:$0xE400] =	vst v63  }
0x5d: {  	s31 =	simm.s32 $0x0;
	s19 =	simm.s32 $0xD400;
	s20 =	simm.s32 $0xDC00  }
0x5e: {  	[tilespmem:s19], [sflag:$0x2] =	stream.indirect_vreg.gather [hbm4b:s17+s4], $0x80, v2, vm0, $0xb8;
	[tilespmem:$0xE400] =	vst v63  }
0x5f: {  	s2 =	simm.s32 $0x2400;
	s5 =	rddreg [dreg:$0x2];
	s19 =	simm.s32 $0x1400  }
0x60: {  	[tilespmem:s20], [sflag:$0x2] =	stream.indirect_vreg.gather [hbm4b:s18+s4], $0x80, v2, vm0, $0xb8;
	[tilespmem:$0xE400] =	vst v63  }
.LBB2_2:
0x61: {  	s1 =	sshrl.u32 s30, $0x3  }
0x62: {  	s1 =	smul.u32 $0x1C000, s1  }
0x63: {  	s0 =	sand.u32 $0x200, s31  }
0x64: {  	_ =	swait.ge [sflag:s22], $0x7000;
	s0 =	sor.u32 s0, s1  }
0x65: {  	[sflag:s22] =	ssyncset.done $0x0;
	s0 =	sshrl.u32 s0, $0x3  }
0x66: {  	[sflag:s22] =	ssyncadd.s32 $0xFFFF9000;
	s0 =	sadd.s32 s5, s0  }
0x67: {  	[hbm4b:s0+s3] =	stream.strided.scatter [tilespmem:s24], [sflag:$0x3], $0x7000, s24, s3, $0x38;
	[tilespmem:$0xE400] =	vst v63  }
0x68: {  	_ =	swait.ge [sflag:s25], $0x7000  }
0x69: {  	[sflag:s25] =	ssyncset.done $0x0  }
0x6a: {  	[sflag:s25] =	ssyncadd.s32 $0xFFFF9000  }
0x6b: {  	v2 =	vld.msk [tilespmem:s29+$0xFFFFFF80], $0x3;
	_ =	sdelay $0x4  }
0x6c: {  	v3 =	vshrl.u32 v2, $0x3  }
0x6d: {  	v3 =	vmul.u32 $0x380, v3  }
0x6e: {  	v2 =	vand.u32 $0x7, v2  }
0x6f: {  	v2 =	vor.u32 v2, v3  }
0x70: {  	v2 =	vperm.xlane v2, v0;
	_ =	sdelay $0x1  }
0x71: {  	v2 =	vadd.s32 v1, v2;
	_ =	sdelay $0x4  }
0x72: {  	[tilespmem:s24], [sflag:$0x1] =	stream.indirect_vreg.gather [hbm4b:s21+s4], $0x80, v2, vm0, $0xb8;
	[tilespmem:$0xE400] =	vst v63  }
0x73: {  	s1 =	simm.s32 $0xC00  }
0x74: {  	[tilespmem:s1], [sflag:$0x1] =	stream.indirect_vreg.gather [hbm4b:s6+s4], $0x80, v2, vm0, $0xb8;
	[tilespmem:$0xE400] =	vst v63  }
0x75: {  	_ = 	snop  }
0x76: {  	[tilespmem:s19], [sflag:$0x1] =	stream.indirect_vreg.gather [hbm4b:s7+s4], $0x80, v2, vm0, $0xb8;
	[tilespmem:$0xE400] =	vst v63  }
0x77: {  	s20 =	simm.s32 $0x1C00  }
0x78: {  	[tilespmem:s20], [sflag:$0x1] =	stream.indirect_vreg.gather [hbm4b:s8+s4], $0x80, v2, vm0, $0xb8;
	[tilespmem:$0xE400] =	vst v63  }
0x79: {  	_ = 	snop  }
0x7a: {  	[tilespmem:s2], [sflag:$0x1] =	stream.indirect_vreg.gather [hbm4b:s9+s4], $0x80, v2, vm0, $0xb8;
	[tilespmem:$0xE400] =	vst v63  }
0x7b: {  	s20 =	simm.s32 $0x2C00  }
0x7c: {  	[tilespmem:s20], [sflag:$0x1] =	stream.indirect_vreg.gather [hbm4b:s10+s4], $0x80, v2, vm0, $0xb8;
	[tilespmem:$0xE400] =	vst v63  }
0x7d: {  	s20 =	simm.s32 $0x3400  }
0x7e: {  	[tilespmem:s20], [sflag:$0x1] =	stream.indirect_vreg.gather [hbm4b:s11+s4], $0x80, v2, vm0, $0xb8;
	[tilespmem:$0xE400] =	vst v63  }
0x7f: {  	s20 =	simm.s32 $0x3C00  }
0x80: {  	[tilespmem:s20], [sflag:$0x1] =	stream.indirect_vreg.gather [hbm4b:s12+s4], $0x80, v2, vm0, $0xb8;
	[tilespmem:$0xE400] =	vst v63  }
0x81: {  	s20 =	simm.s32 $0x4400  }
0x82: {  	[tilespmem:s20], [sflag:$0x1] =	stream.indirect_vreg.gather [hbm4b:s13+s4], $0x80, v2, vm0, $0xb8;
	[tilespmem:$0xE400] =	vst v63  }
0x83: {  	s20 =	simm.s32 $0x4C00  }
0x84: {  	[tilespmem:s20], [sflag:$0x1] =	stream.indirect_vreg.gather [hbm4b:s14+s4], $0x80, v2, vm0, $0xb8;
	[tilespmem:$0xE400] =	vst v63  }
0x85: {  	s20 =	simm.s32 $0x5400  }
0x86: {  	[tilespmem:s20], [sflag:$0x1] =	stream.indirect_vreg.gather [hbm4b:s15+s4], $0x80, v2, vm0, $0xb8;
	[tilespmem:$0xE400] =	vst v63  }
0x87: {  	s20 =	simm.s32 $0x5C00  }
0x88: {  	[tilespmem:s20], [sflag:$0x1] =	stream.indirect_vreg.gather [hbm4b:s16+s4], $0x80, v2, vm0, $0xb8;
	[tilespmem:$0xE400] =	vst v63  }
0x89: {  	s20 =	simm.s32 $0x6400  }
0x8a: {  	[tilespmem:s20], [sflag:$0x1] =	stream.indirect_vreg.gather [hbm4b:s17+s4], $0x80, v2, vm0, $0xb8;
	[tilespmem:$0xE400] =	vst v63  }
0x8b: {  	s20 =	simm.s32 $0x6C00  }
0x8c: {  	[tilespmem:s20], [sflag:$0x1] =	stream.indirect_vreg.gather [hbm4b:s18+s4], $0x80, v2, vm0, $0xb8;
	[tilespmem:$0xE400] =	vst v63  }
0x8d: {  	_ =	swait.ge [sflag:s26], $0x7000  }
0x8e: {  	[sflag:s26] =	ssyncset.done $0x0  }
0x8f: {  	s0 =	sadd.s32 $0x20, s0;
	[sflag:s26] =	ssyncadd.s32 $0xFFFF9000  }
0x90: {  	[hbm4b:s0+s3] =	stream.strided.scatter [tilespmem:s23], [sflag:$0x4], $0x7000, s24, s3, $0x38;
	[tilespmem:$0xE400] =	vst v63  }
0x91: {  	_ =	swait.ge [sflag:s28], $0x7000  }
0x92: {  	[sflag:s28] =	ssyncset.done $0x0  }
0x93: {  	[sflag:s28] =	ssyncadd.s32 $0xFFFF9000  }
0x94: {  	v2 =	vld.msk [tilespmem:s29+$0x0], $0x3;
	_ =	sdelay $0x4  }
0x95: {  	v3 =	vshrl.u32 v2, $0x3  }
0x96: {  	v3 =	vmul.u32 $0x380, v3  }
0x97: {  	v2 =	vand.u32 $0x7, v2  }
0x98: {  	v2 =	vor.u32 v2, v3  }
0x99: {  	v2 =	vperm.xlane v2, v0;
	_ =	sdelay $0x1  }
0x9a: {  	v2 =	vadd.s32 v1, v2;
	_ =	sdelay $0x4  }
0x9b: {  	[tilespmem:s23], [sflag:$0x2] =	stream.indirect_vreg.gather [hbm4b:s21+s4], $0x80, v2, vm0, $0xb8;
	[tilespmem:$0xE400] =	vst v63  }
0x9c: {  	s20 =	simm.s32 $0x7C00  }
0x9d: {  	[tilespmem:s20], [sflag:$0x2] =	stream.indirect_vreg.gather [hbm4b:s6+s4], $0x80, v2, vm0, $0xb8;
	[tilespmem:$0xE400] =	vst v63  }
0x9e: {  	s20 =	simm.s32 $0x8400  }
0x9f: {  	[tilespmem:s20], [sflag:$0x2] =	stream.indirect_vreg.gather [hbm4b:s7+s4], $0x80, v2, vm0, $0xb8;
	[tilespmem:$0xE400] =	vst v63  }
0xa0: {  	s20 =	simm.s32 $0x8C00  }
0xa1: {  	[tilespmem:s20], [sflag:$0x2] =	stream.indirect_vreg.gather [hbm4b:s8+s4], $0x80, v2, vm0, $0xb8;
	[tilespmem:$0xE400] =	vst v63  }
0xa2: {  	s20 =	simm.s32 $0x9400  }
0xa3: {  	[tilespmem:s20], [sflag:$0x2] =	stream.indirect_vreg.gather [hbm4b:s9+s4], $0x80, v2, vm0, $0xb8;
	[tilespmem:$0xE400] =	vst v63  }
0xa4: {  	s20 =	simm.s32 $0x9C00  }
0xa5: {  	[tilespmem:s20], [sflag:$0x2] =	stream.indirect_vreg.gather [hbm4b:s10+s4], $0x80, v2, vm0, $0xb8;
	[tilespmem:$0xE400] =	vst v63  }
0xa6: {  	s20 =	simm.s32 $0xA400  }
0xa7: {  	[tilespmem:s20], [sflag:$0x2] =	stream.indirect_vreg.gather [hbm4b:s11+s4], $0x80, v2, vm0, $0xb8;
	[tilespmem:$0xE400] =	vst v63  }
0xa8: {  	s20 =	simm.s32 $0xAC00  }
0xa9: {  	[tilespmem:s20], [sflag:$0x2] =	stream.indirect_vreg.gather [hbm4b:s12+s4], $0x80, v2, vm0, $0xb8;
	[tilespmem:$0xE400] =	vst v63  }
0xaa: {  	s20 =	simm.s32 $0xB400  }
0xab: {  	[tilespmem:s20], [sflag:$0x2] =	stream.indirect_vreg.gather [hbm4b:s13+s4], $0x80, v2, vm0, $0xb8;
	[tilespmem:$0xE400] =	vst v63  }
0xac: {  	s20 =	simm.s32 $0xBC00  }
0xad: {  	[tilespmem:s20], [sflag:$0x2] =	stream.indirect_vreg.gather [hbm4b:s14+s4], $0x80, v2, vm0, $0xb8;
	[tilespmem:$0xE400] =	vst v63  }
0xae: {  	s20 =	simm.s32 $0xC400  }
0xaf: {  	[tilespmem:s20], [sflag:$0x2] =	stream.indirect_vreg.gather [hbm4b:s15+s4], $0x80, v2, vm0, $0xb8;
	[tilespmem:$0xE400] =	vst v63  }
0xb0: {  	p0 =	sne.s32 s31, $0x400;
	s20 =	simm.s32 $0xCC00  }
0xb1: {  	[tilespmem:s20], [sflag:$0x2] =	stream.indirect_vreg.gather [hbm4b:s16+s4], $0x80, v2, vm0, $0xb8;
	[tilespmem:$0xE400] =	vst v63  }
.Ltmp0:
0xb2: {  	_ = 	snop;
	(pc) =	sbr.rel @p0 .LBB2_2-.Ltmp0, $4  }
0xb3: {  	s30 =	sadd.s32 $0x4, s30;
	s20 =	simm.s32 $0xD400  }
0xb4: {  	[tilespmem:s20], [sflag:$0x2] =	stream.indirect_vreg.gather [hbm4b:s17+s4], $0x80, v2, vm0, $0xb8;
	[tilespmem:$0xE400] =	vst v63  }
0xb5: {  	s31 =	sadd.s32 $0x200, s31;
	s29 =	sadd.s32 $0x100, s29;
	s20 =	simm.s32 $0xDC00  }
0xb6: {  	[tilespmem:s20], [sflag:$0x2] =	stream.indirect_vreg.gather [hbm4b:s18+s4], $0x80, v2, vm0, $0xb8;
	[tilespmem:$0xE400] =	vst v63  }
0xb7: {  	_ =	swait.ge [sflag:s22], $0x7000  }
0xb8: {  	[sflag:s22] =	ssyncset.done $0x0  }
0xb9: {  	s0 =	rddreg [dreg:$0x5];
	[sflag:s22] =	ssyncadd.s32 $0xFFFF9000  }
0xba: {  	[hbm4b:s0+s3] =	stream.strided.scatter [tilespmem:s24], [sflag:$0x3], $0x7000, s24, s3, $0x38;
	[tilespmem:$0xE400] =	vst v63  }
0xbb: {  	_ =	swait.ge [sflag:s26], $0x7000  }
0xbc: {  	[sflag:s26] =	ssyncset.done $0x0  }
0xbd: {  	s19 =	rddreg [dreg:$0x6];
	[sflag:s26] =	ssyncadd.s32 $0xFFFF9000  }
0xbe: {  	[hbm4b:s19+s3] =	stream.strided.scatter [tilespmem:s23], [sflag:$0x4], $0x7000, s24, s3, $0x38;
	[tilespmem:$0xE400] =	vst v63  }
0xbf: {  	_ =	swait.ge [sflag:s25], $0x7000  }
0xc0: {  	[sflag:s25] =	ssyncset.done $0x0  }
0xc1: {  	[sflag:s25] =	ssyncadd.s32 $0xFFFF9000  }
0xc2: {  	_ =	swait.ge [sflag:s28], $0x7000  }
0xc3: {  	s2 =	rddreg [dreg:$0x9]  }
0xc4: {  	s20 =	rddreg [dreg:$0x7];
	s2 =	sadd.s32 $0x1, s2  }
0xc5: {  	p0 =	sne.s32 s2, s20  }
.Ltmp1:
0xc6: {  	_ = 	snop;
	(pc) =	sbr.rel @p0 .LBB2_1-.Ltmp1, $4  }
0xc7: {  	s5 =	simm.s32 $0x1400  }
0xc8: {  	s29 =	simm.s32 $0x3400;
	s30 =	simm.s32 $0x3C00;
	[sflag:s28] =	ssyncset.done $0x0  }
0xc9: {  	s31 =	simm.s32 $0x4400;
	s19 =	simm.s32 $0x1C00;
	[sflag:s28] =	ssyncadd.s32 $0xFFFF9000  }
0xca: {  	[dreg:$0x9] =	wrdreg s2;
	s20 =	simm.s32 $0x2400;
	s2 =	simm.s32 $0x2C00  }
0xcb: {  	_ =	sfence.sel $0x180000  }
0xcc: {  	[bflag:$0x0] =	sbarrier.arrive $0xFFFF  }
0xcd: {  	_ =	strace $0x90000047  }
0xce: {  	s0 =	stileid.u32;
	[bflag:$0x2] =	sbarrier.arrive $0xFFFF  }
0xcf: {  	p0 =	sne.s32 s0, $0x0;
	s0 =	rddreg [dreg:$0x3]  }
0xd0: {  	s0 =	sadd.s32 @!p0 $0x100000, s0  }
0xd1: {  	[sflag:s0] =	ssyncadd.tile.s32 @!p0 $0x1;
	_ =	shalt  }
.Lfunc_end2:
_tile_overlayer_lowered:
.L_overlay_start_2:
0xd2: {  	(tag) =	ssettag $0x2  }
0xd3: {  	s0 =	rddreg [dreg:$0x0];
	s2 =	stileid.u32  }
0xd4: {  	s1 =	rddreg [dreg:$0x1];
	p0 =	sne.s32 s2, $0x0  }
0xd5: {  	s3 =	rddreg [dreg:$0x2];
	[bflag:$0x3] =	sbarrier.arrive $0xFFFF;
	s2 =	simm.s32 @!p0 $0x1C05  }
0xd6: {  	[timem:s3], [sflag:s2] =	dma.local @!p0 [hbm:s0], s1  }
0xd7: {  	s0 =	simm.s32 @!p0 $0x5  }
0xd8: {  	_ =	swait.ge @!p0 [sflag:s0], s1  }
0xd9: {  	s1 =	ssub.s32 @!p0 $0x0, s1;
	[sflag:s0] =	ssyncset.done @!p0 $0x0  }
0xda: {  	[sflag:s0] =	ssyncadd.s32 @!p0 s1  }
0xdb: {  	[bflag:$0x3] =	sbarrier.arrive $0xFFFF  }
0xdc: {  	_ =	shalt  }

</sc_bundles>
